<compile_context>
chip_gen: v7x
topology: tpu7x:2x2x1
jax: 0.10.2.dev20260603
libtpu: 0.0.44.dev20260713+nightly
codegen_flags: <defaults>
</compile_context>

<pallas_src>
import functools

import jax
import jax.numpy as jnp
from jax import lax
from jax.experimental import pallas as pl
from jax.experimental.pallas import tpu as pltpu
from jax.experimental.pallas import tpu_sc as plsc

_B = 16384
_EMB = 128
_NDENSE = 13
_HID = 64

_NC = 2
_NS = 16
_NW = _NC * _NS
_HALVES = 1
_BH = _B // _HALVES
_BPW = _BH // _NW
_CHUNK = 128
_NCH = _BPW // _CHUNK

_BLK = 4096


def _gather_body(table_hbm, idx_hbm, out_hbm, idx_v, rows_v, isem, gsem, wsem):
    wid = lax.axis_index("s") * _NC + lax.axis_index("c")
    idx_copies = [
        pltpu.async_copy(idx_hbm.at[pl.ds(wid * _NCH + j, 1)],
                         idx_v.at[pl.ds(j, 1)], isem)
        for j in range(_NCH)
    ]
    gathers = []
    for j in range(_NCH):
        idx_copies[j].wait()
        gathers.append(
            pltpu.async_copy(
                table_hbm.at[idx_v.at[j]],
                rows_v.at[pl.ds(j * _CHUNK, _CHUNK)],
                gsem,
            )
        )
    writes = []
    for j in range(_NCH):
        gathers[j].wait()
        writes.append(
            pltpu.async_copy(
                rows_v.at[pl.ds(j * _CHUNK, _CHUNK)],
                out_hbm.at[pl.ds(wid * _BPW + j * _CHUNK, _CHUNK)],
                wsem,
            )
        )
    for w in writes:
        w.wait()


def _make_gather():
    return pl.kernel(
        _gather_body,
        out_type=jax.ShapeDtypeStruct((_BH, _EMB), jnp.float32),
        scratch_types=[
            pltpu.VMEM((_NCH, _CHUNK), jnp.int32),
            pltpu.VMEM((_BPW, _EMB), jnp.float32),
            pltpu.SemaphoreType.DMA,
            pltpu.SemaphoreType.DMA,
            pltpu.SemaphoreType.DMA,
        ],
        mesh=plsc.VectorSubcoreMesh(core_axis_name="c", subcore_axis_name="s"),
    )


def _mlp_body(e_ref, xdt_ref, w1_ref, b1_ref, w2_ref, b2_ref,
              w3_ref, b3_ref, out_ref):
    f32, bf16 = jnp.float32, jnp.bfloat16
    h1 = lax.dot_general(e_ref[...].astype(bf16),
                         w1_ref[:, :_EMB].astype(bf16),
                         (((1,), (1,)), ((), ())),
                         preferred_element_type=f32)
    h1 = h1 + lax.dot_general(xdt_ref[...], w1_ref[:, _EMB:],
                              (((0,), (1,)), ((), ())),
                              preferred_element_type=f32)
    h1 = jnp.maximum(h1 + b1_ref[...], 0.0)
    h2 = lax.dot_general(h1.astype(bf16), w2_ref[...].astype(bf16),
                         (((1,), (1,)), ((), ())),
                         preferred_element_type=f32)
    h2 = jnp.maximum(h2 + b2_ref[...], 0.0)
    out_ref[...] = (
        lax.dot_general(w3_ref[...], h2, (((1,), (1,)), ((), ())),
                        preferred_element_type=f32)
        + b3_ref[...]
    )


def _mlp(e, xd_t, w1, b1, w2, b2, w3, b3):
    n_blk = _BH // _BLK
    full = lambda shape: pl.BlockSpec(shape, lambda i: (0, 0))
    return pl.pallas_call(
        _mlp_body,
        grid=(n_blk,),
        in_specs=[
            pl.BlockSpec((_BLK, _EMB), lambda i: (i, 0)),
            pl.BlockSpec((_NDENSE, _BLK), lambda i: (0, i)),
            full((_HID, _EMB + _NDENSE)),
            full((1, _HID)),
            full((_HID, _HID)),
            full((1, _HID)),
            full((1, _HID)),
            full((1, 1)),
        ],
        out_specs=pl.BlockSpec((1, _BLK), lambda i: (0, i)),
        out_shape=jax.ShapeDtypeStruct((1, _BH), jnp.float32),
    )(e, xd_t, w1, b1, w2, b2, w3, b3)


def kernel(X_emb, X_dense, I_W, W1, b1, W2, b2, W3, b3):
    idx = X_emb.astype(jnp.int32)
    xd_t = X_dense.T
    b1r, b2r, b3r = b1.reshape(1, _HID), b2.reshape(1, _HID), b3.reshape(1, 1)
    gather = _make_gather()
    halves = []
    for h in range(_HALVES):
        idx2d = idx[h * _BH:(h + 1) * _BH].reshape(_NW * _NCH, _CHUNK)
        e = gather(I_W, idx2d)
        halves.append(
            _mlp(e, xd_t[:, h * _BH:(h + 1) * _BH],
                 W1, b1r, W2, b2r, W3, b3r))
    return jnp.concatenate(halves, axis=1).T

# --- scband reference (transcript-rebuilt; emitter-appended) ---
"""Pipeline reference for scband-net-64321430225592 (READ-ONLY COPY).

The authoritative reference and input builder live on the scoring server;
editing this copy changes nothing except your own understanding.
"""

import jax, jax.numpy as jnp
import numpy as np

B = 16384
N_ITEMS = 100000
N_DENSE = 13
EMB = 128
HID = EMB // 2
OUT = 1


def setup_inputs(seed: int = 0) -> dict:
    key = jax.random.key(seed)
    ks = jax.random.split(key, 9)
    X_emb = jax.random.randint(ks[0], (B,), 0, N_ITEMS)
    X_dense = jax.random.normal(ks[1], (B, N_DENSE), dtype=jnp.float32)
    # Embedding table: uniform(-0.05, 0.05) as in the torch init
    I_W = jax.random.uniform(ks[2], (N_ITEMS, EMB), dtype=jnp.float32, minval=-0.05, maxval=0.05)
    # Xavier-uniform linears with bias 0.01 (torch Linear: y = x @ W.T + b)
    def xavier(k, fan_out, fan_in):
        a = np.sqrt(6.0 / (fan_in + fan_out))
        return jax.random.uniform(k, (fan_out, fan_in), dtype=jnp.float32, minval=-a, maxval=a)
    W1 = xavier(ks[3], HID, EMB + N_DENSE)
    b1 = jnp.full((HID,), 0.01, dtype=jnp.float32)
    W2 = xavier(ks[4], HID, HID)
    b2 = jnp.full((HID,), 0.01, dtype=jnp.float32)
    W3 = xavier(ks[5], OUT, HID)
    b3 = jnp.full((OUT,), 0.01, dtype=jnp.float32)
    return {"X_emb": X_emb, "X_dense": X_dense, "I_W": I_W,
            "W1": W1, "b1": b1, "W2": W2, "b2": b2, "W3": W3, "b3": b3}


def reference(X_emb, X_dense, I_W, W1, b1, W2, b2, W3, b3):
    # Embedding lookup (dropout layers are identity in eval mode)
    e = jnp.take(I_W, X_emb, axis=0)
    x = jnp.concatenate([e, X_dense], axis=1).astype(jnp.float32)
    h1 = jax.nn.relu(x @ W1.T + b1)
    h2 = jax.nn.relu(h1 @ W2.T + b2)
    scores = h2 @ W3.T + b3
    return scores

if __name__ == "__main__":
    import jax
    _d = setup_inputs()
    print(jax.jit(kernel)(*tuple(_d.values())))

</pallas_src>

<mosaic_0001>
#map = affine_map<(d0, d1) -> (0, 0)>
module attributes {stable_mosaic.version = 14 : i64} {
  func.func @_gather_body(%arg0: i32, %arg1: i32, %arg2: memref<100000x128xf32, #tpu.memory_space<hbm>>, %arg3: memref<128x128xi32, #tpu.memory_space<hbm>>, %arg4: memref<16384x128xf32, #tpu.memory_space<hbm>>, %arg5: memref<4x128xi32, #tpu.memory_space<vmem>>, %arg6: memref<512x128xf32, #tpu.memory_space<vmem>>, %arg7: memref<!tpu.dma_semaphore, #tpu.memory_space<semaphore_mem>>, %arg8: memref<!tpu.dma_semaphore, #tpu.memory_space<semaphore_mem>>, %arg9: memref<!tpu.dma_semaphore, #tpu.memory_space<semaphore_mem>>) attributes {dimension_semantics = [#tpu.dimension_semantics<core_parallel>, #tpu.dimension_semantics<subcore_parallel>], iteration_bounds = array<i64: 2, 16>, scalar_prefetch = 0 : i64, scratch_operands = 5 : i64, tpu.core_type = #tpu.core_type<sc_vector_subcore>, window_params = [{transform_indices = #map}, {transform_indices = #map}, {transform_indices = #map}]} {
    %mul3A = arith.constant 2 : i32
    %mul3A_0 = arith.muli %arg1, %mul3A : i32
    %add3A = arith.addi %mul3A_0, %arg0 : i32
    %mul3A_1 = arith.constant 4 : i32
    %mul3A_2 = arith.muli %add3A, %mul3A_1 : i32
    %add3A_3 = arith.constant 0 : i32
    %add3A_4 = arith.addi %mul3A_2, %add3A_3 : i32
    %dma_start3A = arith.constant 0 : i32
    %dma_start3A_5 = arith.constant 0 : i32
    %dma_start3A_6 = tpu.memref_slice %arg5[%dma_start3A, %dma_start3A_5] : memref<4x128xi32, #tpu.memory_space<vmem>> -> memref<1x128xi32, #tpu.memory_space<vmem>>
    %dma_start3A_7 = arith.constant 0 : i32
    %dma_start3A_8 = tpu.memref_slice %arg3[%add3A_4, %dma_start3A_7] : memref<128x128xi32, #tpu.memory_space<hbm>> -> memref<1x128xi32, #tpu.memory_space<hbm>>
    %dma_start3A_9 = arith.constant 0 : i32
    %dma_start3A_10 = arith.constant 0 : i32
    %dma_start3A_11 = tpu.memref_slice %arg5[%dma_start3A_9, %dma_start3A_10] : memref<4x128xi32, #tpu.memory_space<vmem>> -> memref<1x128xi32, #tpu.memory_space<vmem>>
    %dma_start3A_12 = arith.constant 0 : i32
    %dma_start3A_13 = tpu.memref_slice %arg3[%add3A_4, %dma_start3A_12] : memref<128x128xi32, #tpu.memory_space<hbm>> -> memref<1x128xi32, #tpu.memory_space<hbm>>
    tpu.enqueue_dma source(%dma_start3A_13 : memref<1x128xi32, #tpu.memory_space<hbm>>) target(%dma_start3A_11 : memref<1x128xi32, #tpu.memory_space<vmem>>) target_semaphore(%arg7 : memref<!tpu.dma_semaphore, #tpu.memory_space<semaphore_mem>>)
    %mul3A_14 = arith.constant 4 : i32
    %mul3A_15 = arith.muli %add3A, %mul3A_14 : i32
    %add3A_16 = arith.constant 1 : i32
    %add3A_17 = arith.addi %mul3A_15, %add3A_16 : i32
    %dma_start3A_18 = arith.constant 1 : i32
    %dma_start3A_19 = arith.constant 0 : i32
    %dma_start3A_20 = tpu.memref_slice %arg5[%dma_start3A_18, %dma_start3A_19] : memref<4x128xi32, #tpu.memory_space<vmem>> -> memref<1x128xi32, #tpu.memory_space<vmem>>
    %dma_start3A_21 = arith.constant 0 : i32
    %dma_start3A_22 = tpu.memref_slice %arg3[%add3A_17, %dma_start3A_21] : memref<128x128xi32, #tpu.memory_space<hbm>> -> memref<1x128xi32, #tpu.memory_space<hbm>>
    %dma_start3A_23 = arith.constant 1 : i32
    %dma_start3A_24 = arith.constant 0 : i32
    %dma_start3A_25 = tpu.memref_slice %arg5[%dma_start3A_23, %dma_start3A_24] : memref<4x128xi32, #tpu.memory_space<vmem>> -> memref<1x128xi32, #tpu.memory_space<vmem>>
    %dma_start3A_26 = arith.constant 0 : i32
    %dma_start3A_27 = tpu.memref_slice %arg3[%add3A_17, %dma_start3A_26] : memref<128x128xi32, #tpu.memory_space<hbm>> -> memref<1x128xi32, #tpu.memory_space<hbm>>
    tpu.enqueue_dma source(%dma_start3A_27 : memref<1x128xi32, #tpu.memory_space<hbm>>) target(%dma_start3A_25 : memref<1x128xi32, #tpu.memory_space<vmem>>) target_semaphore(%arg7 : memref<!tpu.dma_semaphore, #tpu.memory_space<semaphore_mem>>)
    %mul3A_28 = arith.constant 4 : i32
    %mul3A_29 = arith.muli %add3A, %mul3A_28 : i32
    %add3A_30 = arith.constant 2 : i32
    %add3A_31 = arith.addi %mul3A_29, %add3A_30 : i32
    %dma_start3A_32 = arith.constant 2 : i32
    %dma_start3A_33 = arith.constant 0 : i32
    %dma_start3A_34 = tpu.memref_slice %arg5[%dma_start3A_32, %dma_start3A_33] : memref<4x128xi32, #tpu.memory_space<vmem>> -> memref<1x128xi32, #tpu.memory_space<vmem>>
    %dma_start3A_35 = arith.constant 0 : i32
    %dma_start3A_36 = tpu.memref_slice %arg3[%add3A_31, %dma_start3A_35] : memref<128x128xi32, #tpu.memory_space<hbm>> -> memref<1x128xi32, #tpu.memory_space<hbm>>
    %dma_start3A_37 = arith.constant 2 : i32
    %dma_start3A_38 = arith.constant 0 : i32
    %dma_start3A_39 = tpu.memref_slice %arg5[%dma_start3A_37, %dma_start3A_38] : memref<4x128xi32, #tpu.memory_space<vmem>> -> memref<1x128xi32, #tpu.memory_space<vmem>>
    %dma_start3A_40 = arith.constant 0 : i32
    %dma_start3A_41 = tpu.memref_slice %arg3[%add3A_31, %dma_start3A_40] : memref<128x128xi32, #tpu.memory_space<hbm>> -> memref<1x128xi32, #tpu.memory_space<hbm>>
    tpu.enqueue_dma source(%dma_start3A_41 : memref<1x128xi32, #tpu.memory_space<hbm>>) target(%dma_start3A_39 : memref<1x128xi32, #tpu.memory_space<vmem>>) target_semaphore(%arg7 : memref<!tpu.dma_semaphore, #tpu.memory_space<semaphore_mem>>)
    %mul3A_42 = arith.constant 4 : i32
    %mul3A_43 = arith.muli %add3A, %mul3A_42 : i32
    %add3A_44 = arith.constant 3 : i32
    %add3A_45 = arith.addi %mul3A_43, %add3A_44 : i32
    %dma_start3A_46 = arith.constant 3 : i32
    %dma_start3A_47 = arith.constant 0 : i32
    %dma_start3A_48 = tpu.memref_slice %arg5[%dma_start3A_46, %dma_start3A_47] : memref<4x128xi32, #tpu.memory_space<vmem>> -> memref<1x128xi32, #tpu.memory_space<vmem>>
    %dma_start3A_49 = arith.constant 0 : i32
    %dma_start3A_50 = tpu.memref_slice %arg3[%add3A_45, %dma_start3A_49] : memref<128x128xi32, #tpu.memory_space<hbm>> -> memref<1x128xi32, #tpu.memory_space<hbm>>
    %dma_start3A_51 = arith.constant 3 : i32
    %dma_start3A_52 = arith.constant 0 : i32
    %dma_start3A_53 = tpu.memref_slice %arg5[%dma_start3A_51, %dma_start3A_52] : memref<4x128xi32, #tpu.memory_space<vmem>> -> memref<1x128xi32, #tpu.memory_space<vmem>>
    %dma_start3A_54 = arith.constant 0 : i32
    %dma_start3A_55 = tpu.memref_slice %arg3[%add3A_45, %dma_start3A_54] : memref<128x128xi32, #tpu.memory_space<hbm>> -> memref<1x128xi32, #tpu.memory_space<hbm>>
    tpu.enqueue_dma source(%dma_start3A_55 : memref<1x128xi32, #tpu.memory_space<hbm>>) target(%dma_start3A_53 : memref<1x128xi32, #tpu.memory_space<vmem>>) target_semaphore(%arg7 : memref<!tpu.dma_semaphore, #tpu.memory_space<semaphore_mem>>)
    %dma_wait3A = arith.constant 0 : i32
    %dma_wait3A_56 = arith.constant 0 : i32
    %dma_wait3A_57 = tpu.memref_slice %arg5[%dma_wait3A, %dma_wait3A_56] : memref<4x128xi32, #tpu.memory_space<vmem>> -> memref<1x128xi32, #tpu.memory_space<vmem>>
    %dma_wait3A_58 = arith.constant 0 : i32
    %dma_wait3A_59 = tpu.memref_slice %arg3[%add3A_4, %dma_wait3A_58] : memref<128x128xi32, #tpu.memory_space<hbm>> -> memref<1x128xi32, #tpu.memory_space<hbm>>
    %dma_wait3A_60 = arith.constant 0 : i32
    %dma_wait3A_61 = arith.constant 0 : i32
    %dma_wait3A_62 = tpu.memref_slice %arg5[%dma_wait3A_60, %dma_wait3A_61] : memref<4x128xi32, #tpu.memory_space<vmem>> -> memref<1x128xi32, #tpu.memory_space<vmem>>
    %dma_wait3A_63 = arith.constant 0 : i32
    %dma_wait3A_64 = tpu.memref_slice %arg3[%add3A_4, %dma_wait3A_63] : memref<128x128xi32, #tpu.memory_space<hbm>> -> memref<1x128xi32, #tpu.memory_space<hbm>>
    tpu.wait_dma2 semaphore(%arg7 : memref<!tpu.dma_semaphore, #tpu.memory_space<semaphore_mem>>) src(%dma_wait3A_64 : memref<1x128xi32, #tpu.memory_space<hbm>>) dst(%dma_wait3A_62 : memref<1x128xi32, #tpu.memory_space<vmem>>)
    %dma_start3A_65 = arith.constant 0 : i32
    %dma_start3A_66 = arith.constant 0 : i32
    %dma_start3A_67 = arith.constant 0 : i32
    %dma_start3A_68 = tpu.memref_slice %arg6[%dma_start3A_66, %dma_start3A_67] : memref<512x128xf32, #tpu.memory_space<vmem>> -> memref<128x128xf32, #tpu.memory_space<vmem>>
    %dma_start3A_69 = arith.constant 0 : i32
    %dma_start3A_70 = tpu.memref_slice %arg5[%dma_start3A_65, %dma_start3A_69] : memref<4x128xi32, #tpu.memory_space<vmem>> -> memref<1x128xi32, #tpu.memory_space<vmem>>
    %dma_start3A_71 = tpu.memref_squeeze %dma_start3A_70 : memref<1x128xi32, #tpu.memory_space<vmem>> -> memref<128xi32, #tpu.memory_space<vmem>>
    %dma_start3A_72 = arith.constant 0 : i32
    %dma_start3A_73 = arith.constant 0 : i32
    %dma_start3A_74 = tpu.memref_slice %arg2[%dma_start3A_72, %dma_start3A_73] : memref<100000x128xf32, #tpu.memory_space<hbm>> -> memref<100000x128xf32, #tpu.memory_space<hbm>>
    tpu.enqueue_indirect_dma source(%dma_start3A_74 : memref<100000x128xf32, #tpu.memory_space<hbm>>) target(%dma_start3A_68 : memref<128x128xf32, #tpu.memory_space<vmem>>) offsets(%dma_start3A_71 : memref<128xi32, #tpu.memory_space<vmem>>) semaphore(%arg8 : memref<!tpu.dma_semaphore, #tpu.memory_space<semaphore_mem>>)
    %dma_wait3A_75 = arith.constant 1 : i32
    %dma_wait3A_76 = arith.constant 0 : i32
    %dma_wait3A_77 = tpu.memref_slice %arg5[%dma_wait3A_75, %dma_wait3A_76] : memref<4x128xi32, #tpu.memory_space<vmem>> -> memref<1x128xi32, #tpu.memory_space<vmem>>
    %dma_wait3A_78 = arith.constant 0 : i32
    %dma_wait3A_79 = tpu.memref_slice %arg3[%add3A_17, %dma_wait3A_78] : memref<128x128xi32, #tpu.memory_space<hbm>> -> memref<1x128xi32, #tpu.memory_space<hbm>>
    %dma_wait3A_80 = arith.constant 1 : i32
    %dma_wait3A_81 = arith.constant 0 : i32
    %dma_wait3A_82 = tpu.memref_slice %arg5[%dma_wait3A_80, %dma_wait3A_81] : memref<4x128xi32, #tpu.memory_space<vmem>> -> memref<1x128xi32, #tpu.memory_space<vmem>>
    %dma_wait3A_83 = arith.constant 0 : i32
    %dma_wait3A_84 = tpu.memref_slice %arg3[%add3A_17, %dma_wait3A_83] : memref<128x128xi32, #tpu.memory_space<hbm>> -> memref<1x128xi32, #tpu.memory_space<hbm>>
    tpu.wait_dma2 semaphore(%arg7 : memref<!tpu.dma_semaphore, #tpu.memory_space<semaphore_mem>>) src(%dma_wait3A_84 : memref<1x128xi32, #tpu.memory_space<hbm>>) dst(%dma_wait3A_82 : memref<1x128xi32, #tpu.memory_space<vmem>>)
    %dma_start3A_85 = arith.constant 1 : i32
    %dma_start3A_86 = arith.constant 128 : i32
    %dma_start3A_87 = arith.constant 0 : i32
    %dma_start3A_88 = tpu.memref_slice %arg6[%dma_start3A_86, %dma_start3A_87] : memref<512x128xf32, #tpu.memory_space<vmem>> -> memref<128x128xf32, #tpu.memory_space<vmem>>
    %dma_start3A_89 = arith.constant 0 : i32
    %dma_start3A_90 = tpu.memref_slice %arg5[%dma_start3A_85, %dma_start3A_89] : memref<4x128xi32, #tpu.memory_space<vmem>> -> memref<1x128xi32, #tpu.memory_space<vmem>>
    %dma_start3A_91 = tpu.memref_squeeze %dma_start3A_90 : memref<1x128xi32, #tpu.memory_space<vmem>> -> memref<128xi32, #tpu.memory_space<vmem>>
    %dma_start3A_92 = arith.constant 0 : i32
    %dma_start3A_93 = arith.constant 0 : i32
    %dma_start3A_94 = tpu.memref_slice %arg2[%dma_start3A_92, %dma_start3A_93] : memref<100000x128xf32, #tpu.memory_space<hbm>> -> memref<100000x128xf32, #tpu.memory_space<hbm>>
    tpu.enqueue_indirect_dma source(%dma_start3A_94 : memref<100000x128xf32, #tpu.memory_space<hbm>>) target(%dma_start3A_88 : memref<128x128xf32, #tpu.memory_space<vmem>>) offsets(%dma_start3A_91 : memref<128xi32, #tpu.memory_space<vmem>>) semaphore(%arg8 : memref<!tpu.dma_semaphore, #tpu.memory_space<semaphore_mem>>)
    %dma_wait3A_95 = arith.constant 2 : i32
    %dma_wait3A_96 = arith.constant 0 : i32
    %dma_wait3A_97 = tpu.memref_slice %arg5[%dma_wait3A_95, %dma_wait3A_96] : memref<4x128xi32, #tpu.memory_space<vmem>> -> memref<1x128xi32, #tpu.memory_space<vmem>>
    %dma_wait3A_98 = arith.constant 0 : i32
    %dma_wait3A_99 = tpu.memref_slice %arg3[%add3A_31, %dma_wait3A_98] : memref<128x128xi32, #tpu.memory_space<hbm>> -> memref<1x128xi32, #tpu.memory_space<hbm>>
    %dma_wait3A_100 = arith.constant 2 : i32
    %dma_wait3A_101 = arith.constant 0 : i32
    %dma_wait3A_102 = tpu.memref_slice %arg5[%dma_wait3A_100, %dma_wait3A_101] : memref<4x128xi32, #tpu.memory_space<vmem>> -> memref<1x128xi32, #tpu.memory_space<vmem>>
    %dma_wait3A_103 = arith.constant 0 : i32
    %dma_wait3A_104 = tpu.memref_slice %arg3[%add3A_31, %dma_wait3A_103] : memref<128x128xi32, #tpu.memory_space<hbm>> -> memref<1x128xi32, #tpu.memory_space<hbm>>
    tpu.wait_dma2 semaphore(%arg7 : memref<!tpu.dma_semaphore, #tpu.memory_space<semaphore_mem>>) src(%dma_wait3A_104 : memref<1x128xi32, #tpu.memory_space<hbm>>) dst(%dma_wait3A_102 : memref<1x128xi32, #tpu.memory_space<vmem>>)
    %dma_start3A_105 = arith.constant 2 : i32
    %dma_start3A_106 = arith.constant 256 : i32
    %dma_start3A_107 = arith.constant 0 : i32
    %dma_start3A_108 = tpu.memref_slice %arg6[%dma_start3A_106, %dma_start3A_107] : memref<512x128xf32, #tpu.memory_space<vmem>> -> memref<128x128xf32, #tpu.memory_space<vmem>>
    %dma_start3A_109 = arith.constant 0 : i32
    %dma_start3A_110 = tpu.memref_slice %arg5[%dma_start3A_105, %dma_start3A_109] : memref<4x128xi32, #tpu.memory_space<vmem>> -> memref<1x128xi32, #tpu.memory_space<vmem>>
    %dma_start3A_111 = tpu.memref_squeeze %dma_start3A_110 : memref<1x128xi32, #tpu.memory_space<vmem>> -> memref<128xi32, #tpu.memory_space<vmem>>
    %dma_start3A_112 = arith.constant 0 : i32
    %dma_start3A_113 = arith.constant 0 : i32
    %dma_start3A_114 = tpu.memref_slice %arg2[%dma_start3A_112, %dma_start3A_113] : memref<100000x128xf32, #tpu.memory_space<hbm>> -> memref<100000x128xf32, #tpu.memory_space<hbm>>
    tpu.enqueue_indirect_dma source(%dma_start3A_114 : memref<100000x128xf32, #tpu.memory_space<hbm>>) target(%dma_start3A_108 : memref<128x128xf32, #tpu.memory_space<vmem>>) offsets(%dma_start3A_111 : memref<128xi32, #tpu.memory_space<vmem>>) semaphore(%arg8 : memref<!tpu.dma_semaphore, #tpu.memory_space<semaphore_mem>>)
    %dma_wait3A_115 = arith.constant 3 : i32
    %dma_wait3A_116 = arith.constant 0 : i32
    %dma_wait3A_117 = tpu.memref_slice %arg5[%dma_wait3A_115, %dma_wait3A_116] : memref<4x128xi32, #tpu.memory_space<vmem>> -> memref<1x128xi32, #tpu.memory_space<vmem>>
    %dma_wait3A_118 = arith.constant 0 : i32
    %dma_wait3A_119 = tpu.memref_slice %arg3[%add3A_45, %dma_wait3A_118] : memref<128x128xi32, #tpu.memory_space<hbm>> -> memref<1x128xi32, #tpu.memory_space<hbm>>
    %dma_wait3A_120 = arith.constant 3 : i32
    %dma_wait3A_121 = arith.constant 0 : i32
    %dma_wait3A_122 = tpu.memref_slice %arg5[%dma_wait3A_120, %dma_wait3A_121] : memref<4x128xi32, #tpu.memory_space<vmem>> -> memref<1x128xi32, #tpu.memory_space<vmem>>
    %dma_wait3A_123 = arith.constant 0 : i32
    %dma_wait3A_124 = tpu.memref_slice %arg3[%add3A_45, %dma_wait3A_123] : memref<128x128xi32, #tpu.memory_space<hbm>> -> memref<1x128xi32, #tpu.memory_space<hbm>>
    tpu.wait_dma2 semaphore(%arg7 : memref<!tpu.dma_semaphore, #tpu.memory_space<semaphore_mem>>) src(%dma_wait3A_124 : memref<1x128xi32, #tpu.memory_space<hbm>>) dst(%dma_wait3A_122 : memref<1x128xi32, #tpu.memory_space<vmem>>)
    %dma_start3A_125 = arith.constant 3 : i32
    %dma_start3A_126 = arith.constant 384 : i32
    %dma_start3A_127 = arith.constant 0 : i32
    %dma_start3A_128 = tpu.memref_slice %arg6[%dma_start3A_126, %dma_start3A_127] : memref<512x128xf32, #tpu.memory_space<vmem>> -> memref<128x128xf32, #tpu.memory_space<vmem>>
    %dma_start3A_129 = arith.constant 0 : i32
    %dma_start3A_130 = tpu.memref_slice %arg5[%dma_start3A_125, %dma_start3A_129] : memref<4x128xi32, #tpu.memory_space<vmem>> -> memref<1x128xi32, #tpu.memory_space<vmem>>
    %dma_start3A_131 = tpu.memref_squeeze %dma_start3A_130 : memref<1x128xi32, #tpu.memory_space<vmem>> -> memref<128xi32, #tpu.memory_space<vmem>>
    %dma_start3A_132 = arith.constant 0 : i32
    %dma_start3A_133 = arith.constant 0 : i32
    %dma_start3A_134 = tpu.memref_slice %arg2[%dma_start3A_132, %dma_start3A_133] : memref<100000x128xf32, #tpu.memory_space<hbm>> -> memref<100000x128xf32, #tpu.memory_space<hbm>>
    tpu.enqueue_indirect_dma source(%dma_start3A_134 : memref<100000x128xf32, #tpu.memory_space<hbm>>) target(%dma_start3A_128 : memref<128x128xf32, #tpu.memory_space<vmem>>) offsets(%dma_start3A_131 : memref<128xi32, #tpu.memory_space<vmem>>) semaphore(%arg8 : memref<!tpu.dma_semaphore, #tpu.memory_space<semaphore_mem>>)
    %dma_wait3A_135 = arith.constant 0 : i32
    %dma_wait3A_136 = arith.constant 0 : i32
    %dma_wait3A_137 = arith.constant 0 : i32
    %dma_wait3A_138 = tpu.memref_slice %arg6[%dma_wait3A_136, %dma_wait3A_137] : memref<512x128xf32, #tpu.memory_space<vmem>> -> memref<128x128xf32, #tpu.memory_space<vmem>>
    %dma_wait3A_139 = arith.constant 0 : i32
    %dma_wait3A_140 = tpu.memref_slice %arg5[%dma_wait3A_135, %dma_wait3A_139] : memref<4x128xi32, #tpu.memory_space<vmem>> -> memref<1x128xi32, #tpu.memory_space<vmem>>
    %dma_wait3A_141 = tpu.memref_squeeze %dma_wait3A_140 : memref<1x128xi32, #tpu.memory_space<vmem>> -> memref<128xi32, #tpu.memory_space<vmem>>
    %dma_wait3A_142 = arith.constant 0 : i32
    %dma_wait3A_143 = arith.constant 0 : i32
    %dma_wait3A_144 = tpu.memref_slice %arg2[%dma_wait3A_142, %dma_wait3A_143] : memref<100000x128xf32, #tpu.memory_space<hbm>> -> memref<100000x128xf32, #tpu.memory_space<hbm>>
    tpu.wait_indirect_dma semaphore(%arg8 : memref<!tpu.dma_semaphore, #tpu.memory_space<semaphore_mem>>) src(%dma_wait3A_144 : memref<100000x128xf32, #tpu.memory_space<hbm>>) dst(%dma_wait3A_138 : memref<128x128xf32, #tpu.memory_space<vmem>>)
    %mul3A_145 = arith.constant 512 : i32
    %mul3A_146 = arith.muli %add3A, %mul3A_145 : i32
    %add3A_147 = arith.constant 0 : i32
    %add3A_148 = arith.addi %mul3A_146, %add3A_147 : i32
    %dma_start3A_149 = arith.constant 0 : i32
    %dma_start3A_150 = arith.constant 0 : i32
    %dma_start3A_151 = tpu.memref_slice %arg6[%dma_start3A_149, %dma_start3A_150] : memref<512x128xf32, #tpu.memory_space<vmem>> -> memref<128x128xf32, #tpu.memory_space<vmem>>
    %dma_start3A_152 = arith.constant 0 : i32
    %dma_start3A_153 = tpu.memref_slice %arg4[%add3A_148, %dma_start3A_152] : memref<16384x128xf32, #tpu.memory_space<hbm>> -> memref<128x128xf32, #tpu.memory_space<hbm>>
    %dma_start3A_154 = arith.constant 0 : i32
    %dma_start3A_155 = tpu.memref_slice %arg4[%add3A_148, %dma_start3A_154] : memref<16384x128xf32, #tpu.memory_space<hbm>> -> memref<128x128xf32, #tpu.memory_space<hbm>>
    %dma_start3A_156 = arith.constant 0 : i32
    %dma_start3A_157 = arith.constant 0 : i32
    %dma_start3A_158 = tpu.memref_slice %arg6[%dma_start3A_156, %dma_start3A_157] : memref<512x128xf32, #tpu.memory_space<vmem>> -> memref<128x128xf32, #tpu.memory_space<vmem>>
    tpu.enqueue_dma source(%dma_start3A_158 : memref<128x128xf32, #tpu.memory_space<vmem>>) target(%dma_start3A_155 : memref<128x128xf32, #tpu.memory_space<hbm>>) target_semaphore(%arg9 : memref<!tpu.dma_semaphore, #tpu.memory_space<semaphore_mem>>)
    %dma_wait3A_159 = arith.constant 1 : i32
    %dma_wait3A_160 = arith.constant 128 : i32
    %dma_wait3A_161 = arith.constant 0 : i32
    %dma_wait3A_162 = tpu.memref_slice %arg6[%dma_wait3A_160, %dma_wait3A_161] : memref<512x128xf32, #tpu.memory_space<vmem>> -> memref<128x128xf32, #tpu.memory_space<vmem>>
    %dma_wait3A_163 = arith.constant 0 : i32
    %dma_wait3A_164 = tpu.memref_slice %arg5[%dma_wait3A_159, %dma_wait3A_163] : memref<4x128xi32, #tpu.memory_space<vmem>> -> memref<1x128xi32, #tpu.memory_space<vmem>>
    %dma_wait3A_165 = tpu.memref_squeeze %dma_wait3A_164 : memref<1x128xi32, #tpu.memory_space<vmem>> -> memref<128xi32, #tpu.memory_space<vmem>>
    %dma_wait3A_166 = arith.constant 0 : i32
    %dma_wait3A_167 = arith.constant 0 : i32
    %dma_wait3A_168 = tpu.memref_slice %arg2[%dma_wait3A_166, %dma_wait3A_167] : memref<100000x128xf32, #tpu.memory_space<hbm>> -> memref<100000x128xf32, #tpu.memory_space<hbm>>
    tpu.wait_indirect_dma semaphore(%arg8 : memref<!tpu.dma_semaphore, #tpu.memory_space<semaphore_mem>>) src(%dma_wait3A_168 : memref<100000x128xf32, #tpu.memory_space<hbm>>) dst(%dma_wait3A_162 : memref<128x128xf32, #tpu.memory_space<vmem>>)
    %mul3A_169 = arith.constant 512 : i32
    %mul3A_170 = arith.muli %add3A, %mul3A_169 : i32
    %add3A_171 = arith.constant 128 : i32
    %add3A_172 = arith.addi %mul3A_170, %add3A_171 : i32
    %dma_start3A_173 = arith.constant 128 : i32
    %dma_start3A_174 = arith.constant 0 : i32
    %dma_start3A_175 = tpu.memref_slice %arg6[%dma_start3A_173, %dma_start3A_174] : memref<512x128xf32, #tpu.memory_space<vmem>> -> memref<128x128xf32, #tpu.memory_space<vmem>>
    %dma_start3A_176 = arith.constant 0 : i32
    %dma_start3A_177 = tpu.memref_slice %arg4[%add3A_172, %dma_start3A_176] : memref<16384x128xf32, #tpu.memory_space<hbm>> -> memref<128x128xf32, #tpu.memory_space<hbm>>
    %dma_start3A_178 = arith.constant 0 : i32
    %dma_start3A_179 = tpu.memref_slice %arg4[%add3A_172, %dma_start3A_178] : memref<16384x128xf32, #tpu.memory_space<hbm>> -> memref<128x128xf32, #tpu.memory_space<hbm>>
    %dma_start3A_180 = arith.constant 128 : i32
    %dma_start3A_181 = arith.constant 0 : i32
    %dma_start3A_182 = tpu.memref_slice %arg6[%dma_start3A_180, %dma_start3A_181] : memref<512x128xf32, #tpu.memory_space<vmem>> -> memref<128x128xf32, #tpu.memory_space<vmem>>
    tpu.enqueue_dma source(%dma_start3A_182 : memref<128x128xf32, #tpu.memory_space<vmem>>) target(%dma_start3A_179 : memref<128x128xf32, #tpu.memory_space<hbm>>) target_semaphore(%arg9 : memref<!tpu.dma_semaphore, #tpu.memory_space<semaphore_mem>>)
    %dma_wait3A_183 = arith.constant 2 : i32
    %dma_wait3A_184 = arith.constant 256 : i32
    %dma_wait3A_185 = arith.constant 0 : i32
    %dma_wait3A_186 = tpu.memref_slice %arg6[%dma_wait3A_184, %dma_wait3A_185] : memref<512x128xf32, #tpu.memory_space<vmem>> -> memref<128x128xf32, #tpu.memory_space<vmem>>
    %dma_wait3A_187 = arith.constant 0 : i32
    %dma_wait3A_188 = tpu.memref_slice %arg5[%dma_wait3A_183, %dma_wait3A_187] : memref<4x128xi32, #tpu.memory_space<vmem>> -> memref<1x128xi32, #tpu.memory_space<vmem>>
    %dma_wait3A_189 = tpu.memref_squeeze %dma_wait3A_188 : memref<1x128xi32, #tpu.memory_space<vmem>> -> memref<128xi32, #tpu.memory_space<vmem>>
    %dma_wait3A_190 = arith.constant 0 : i32
    %dma_wait3A_191 = arith.constant 0 : i32
    %dma_wait3A_192 = tpu.memref_slice %arg2[%dma_wait3A_190, %dma_wait3A_191] : memref<100000x128xf32, #tpu.memory_space<hbm>> -> memref<100000x128xf32, #tpu.memory_space<hbm>>
    tpu.wait_indirect_dma semaphore(%arg8 : memref<!tpu.dma_semaphore, #tpu.memory_space<semaphore_mem>>) src(%dma_wait3A_192 : memref<100000x128xf32, #tpu.memory_space<hbm>>) dst(%dma_wait3A_186 : memref<128x128xf32, #tpu.memory_space<vmem>>)
    %mul3A_193 = arith.constant 512 : i32
    %mul3A_194 = arith.muli %add3A, %mul3A_193 : i32
    %add3A_195 = arith.constant 256 : i32
    %add3A_196 = arith.addi %mul3A_194, %add3A_195 : i32
    %dma_start3A_197 = arith.constant 256 : i32
    %dma_start3A_198 = arith.constant 0 : i32
    %dma_start3A_199 = tpu.memref_slice %arg6[%dma_start3A_197, %dma_start3A_198] : memref<512x128xf32, #tpu.memory_space<vmem>> -> memref<128x128xf32, #tpu.memory_space<vmem>>
    %dma_start3A_200 = arith.constant 0 : i32
    %dma_start3A_201 = tpu.memref_slice %arg4[%add3A_196, %dma_start3A_200] : memref<16384x128xf32, #tpu.memory_space<hbm>> -> memref<128x128xf32, #tpu.memory_space<hbm>>
    %dma_start3A_202 = arith.constant 0 : i32
    %dma_start3A_203 = tpu.memref_slice %arg4[%add3A_196, %dma_start3A_202] : memref<16384x128xf32, #tpu.memory_space<hbm>> -> memref<128x128xf32, #tpu.memory_space<hbm>>
    %dma_start3A_204 = arith.constant 256 : i32
    %dma_start3A_205 = arith.constant 0 : i32
    %dma_start3A_206 = tpu.memref_slice %arg6[%dma_start3A_204, %dma_start3A_205] : memref<512x128xf32, #tpu.memory_space<vmem>> -> memref<128x128xf32, #tpu.memory_space<vmem>>
    tpu.enqueue_dma source(%dma_start3A_206 : memref<128x128xf32, #tpu.memory_space<vmem>>) target(%dma_start3A_203 : memref<128x128xf32, #tpu.memory_space<hbm>>) target_semaphore(%arg9 : memref<!tpu.dma_semaphore, #tpu.memory_space<semaphore_mem>>)
    %dma_wait3A_207 = arith.constant 3 : i32
    %dma_wait3A_208 = arith.constant 384 : i32
    %dma_wait3A_209 = arith.constant 0 : i32
    %dma_wait3A_210 = tpu.memref_slice %arg6[%dma_wait3A_208, %dma_wait3A_209] : memref<512x128xf32, #tpu.memory_space<vmem>> -> memref<128x128xf32, #tpu.memory_space<vmem>>
    %dma_wait3A_211 = arith.constant 0 : i32
    %dma_wait3A_212 = tpu.memref_slice %arg5[%dma_wait3A_207, %dma_wait3A_211] : memref<4x128xi32, #tpu.memory_space<vmem>> -> memref<1x128xi32, #tpu.memory_space<vmem>>
    %dma_wait3A_213 = tpu.memref_squeeze %dma_wait3A_212 : memref<1x128xi32, #tpu.memory_space<vmem>> -> memref<128xi32, #tpu.memory_space<vmem>>
    %dma_wait3A_214 = arith.constant 0 : i32
    %dma_wait3A_215 = arith.constant 0 : i32
    %dma_wait3A_216 = tpu.memref_slice %arg2[%dma_wait3A_214, %dma_wait3A_215] : memref<100000x128xf32, #tpu.memory_space<hbm>> -> memref<100000x128xf32, #tpu.memory_space<hbm>>
    tpu.wait_indirect_dma semaphore(%arg8 : memref<!tpu.dma_semaphore, #tpu.memory_space<semaphore_mem>>) src(%dma_wait3A_216 : memref<100000x128xf32, #tpu.memory_space<hbm>>) dst(%dma_wait3A_210 : memref<128x128xf32, #tpu.memory_space<vmem>>)
    %mul3A_217 = arith.constant 512 : i32
    %mul3A_218 = arith.muli %add3A, %mul3A_217 : i32
    %add3A_219 = arith.constant 384 : i32
    %add3A_220 = arith.addi %mul3A_218, %add3A_219 : i32
    %dma_start3A_221 = arith.constant 384 : i32
    %dma_start3A_222 = arith.constant 0 : i32
    %dma_start3A_223 = tpu.memref_slice %arg6[%dma_start3A_221, %dma_start3A_222] : memref<512x128xf32, #tpu.memory_space<vmem>> -> memref<128x128xf32, #tpu.memory_space<vmem>>
    %dma_start3A_224 = arith.constant 0 : i32
    %dma_start3A_225 = tpu.memref_slice %arg4[%add3A_220, %dma_start3A_224] : memref<16384x128xf32, #tpu.memory_space<hbm>> -> memref<128x128xf32, #tpu.memory_space<hbm>>
    %dma_start3A_226 = arith.constant 0 : i32
    %dma_start3A_227 = tpu.memref_slice %arg4[%add3A_220, %dma_start3A_226] : memref<16384x128xf32, #tpu.memory_space<hbm>> -> memref<128x128xf32, #tpu.memory_space<hbm>>
    %dma_start3A_228 = arith.constant 384 : i32
    %dma_start3A_229 = arith.constant 0 : i32
    %dma_start3A_230 = tpu.memref_slice %arg6[%dma_start3A_228, %dma_start3A_229] : memref<512x128xf32, #tpu.memory_space<vmem>> -> memref<128x128xf32, #tpu.memory_space<vmem>>
    tpu.enqueue_dma source(%dma_start3A_230 : memref<128x128xf32, #tpu.memory_space<vmem>>) target(%dma_start3A_227 : memref<128x128xf32, #tpu.memory_space<hbm>>) target_semaphore(%arg9 : memref<!tpu.dma_semaphore, #tpu.memory_space<semaphore_mem>>)
    %dma_wait3A_231 = arith.constant 0 : i32
    %dma_wait3A_232 = arith.constant 0 : i32
    %dma_wait3A_233 = tpu.memref_slice %arg6[%dma_wait3A_231, %dma_wait3A_232] : memref<512x128xf32, #tpu.memory_space<vmem>> -> memref<128x128xf32, #tpu.memory_space<vmem>>
    %dma_wait3A_234 = arith.constant 0 : i32
    %dma_wait3A_235 = tpu.memref_slice %arg4[%add3A_148, %dma_wait3A_234] : memref<16384x128xf32, #tpu.memory_space<hbm>> -> memref<128x128xf32, #tpu.memory_space<hbm>>
    %dma_wait3A_236 = arith.constant 0 : i32
    %dma_wait3A_237 = tpu.memref_slice %arg4[%add3A_148, %dma_wait3A_236] : memref<16384x128xf32, #tpu.memory_space<hbm>> -> memref<128x128xf32, #tpu.memory_space<hbm>>
    %dma_wait3A_238 = arith.constant 0 : i32
    %dma_wait3A_239 = arith.constant 0 : i32
    %dma_wait3A_240 = tpu.memref_slice %arg6[%dma_wait3A_238, %dma_wait3A_239] : memref<512x128xf32, #tpu.memory_space<vmem>> -> memref<128x128xf32, #tpu.memory_space<vmem>>
    tpu.wait_dma2 semaphore(%arg9 : memref<!tpu.dma_semaphore, #tpu.memory_space<semaphore_mem>>) src(%dma_wait3A_240 : memref<128x128xf32, #tpu.memory_space<vmem>>) dst(%dma_wait3A_237 : memref<128x128xf32, #tpu.memory_space<hbm>>)
    %dma_wait3A_241 = arith.constant 128 : i32
    %dma_wait3A_242 = arith.constant 0 : i32
    %dma_wait3A_243 = tpu.memref_slice %arg6[%dma_wait3A_241, %dma_wait3A_242] : memref<512x128xf32, #tpu.memory_space<vmem>> -> memref<128x128xf32, #tpu.memory_space<vmem>>
    %dma_wait3A_244 = arith.constant 0 : i32
    %dma_wait3A_245 = tpu.memref_slice %arg4[%add3A_172, %dma_wait3A_244] : memref<16384x128xf32, #tpu.memory_space<hbm>> -> memref<128x128xf32, #tpu.memory_space<hbm>>
    %dma_wait3A_246 = arith.constant 0 : i32
    %dma_wait3A_247 = tpu.memref_slice %arg4[%add3A_172, %dma_wait3A_246] : memref<16384x128xf32, #tpu.memory_space<hbm>> -> memref<128x128xf32, #tpu.memory_space<hbm>>
    %dma_wait3A_248 = arith.constant 128 : i32
    %dma_wait3A_249 = arith.constant 0 : i32
    %dma_wait3A_250 = tpu.memref_slice %arg6[%dma_wait3A_248, %dma_wait3A_249] : memref<512x128xf32, #tpu.memory_space<vmem>> -> memref<128x128xf32, #tpu.memory_space<vmem>>
    tpu.wait_dma2 semaphore(%arg9 : memref<!tpu.dma_semaphore, #tpu.memory_space<semaphore_mem>>) src(%dma_wait3A_250 : memref<128x128xf32, #tpu.memory_space<vmem>>) dst(%dma_wait3A_247 : memref<128x128xf32, #tpu.memory_space<hbm>>)
    %dma_wait3A_251 = arith.constant 256 : i32
    %dma_wait3A_252 = arith.constant 0 : i32
    %dma_wait3A_253 = tpu.memref_slice %arg6[%dma_wait3A_251, %dma_wait3A_252] : memref<512x128xf32, #tpu.memory_space<vmem>> -> memref<128x128xf32, #tpu.memory_space<vmem>>
    %dma_wait3A_254 = arith.constant 0 : i32
    %dma_wait3A_255 = tpu.memref_slice %arg4[%add3A_196, %dma_wait3A_254] : memref<16384x128xf32, #tpu.memory_space<hbm>> -> memref<128x128xf32, #tpu.memory_space<hbm>>
    %dma_wait3A_256 = arith.constant 0 : i32
    %dma_wait3A_257 = tpu.memref_slice %arg4[%add3A_196, %dma_wait3A_256] : memref<16384x128xf32, #tpu.memory_space<hbm>> -> memref<128x128xf32, #tpu.memory_space<hbm>>
    %dma_wait3A_258 = arith.constant 256 : i32
    %dma_wait3A_259 = arith.constant 0 : i32
    %dma_wait3A_260 = tpu.memref_slice %arg6[%dma_wait3A_258, %dma_wait3A_259] : memref<512x128xf32, #tpu.memory_space<vmem>> -> memref<128x128xf32, #tpu.memory_space<vmem>>
    tpu.wait_dma2 semaphore(%arg9 : memref<!tpu.dma_semaphore, #tpu.memory_space<semaphore_mem>>) src(%dma_wait3A_260 : memref<128x128xf32, #tpu.memory_space<vmem>>) dst(%dma_wait3A_257 : memref<128x128xf32, #tpu.memory_space<hbm>>)
    %dma_wait3A_261 = arith.constant 384 : i32
    %dma_wait3A_262 = arith.constant 0 : i32
    %dma_wait3A_263 = tpu.memref_slice %arg6[%dma_wait3A_261, %dma_wait3A_262] : memref<512x128xf32, #tpu.memory_space<vmem>> -> memref<128x128xf32, #tpu.memory_space<vmem>>
    %dma_wait3A_264 = arith.constant 0 : i32
    %dma_wait3A_265 = tpu.memref_slice %arg4[%add3A_220, %dma_wait3A_264] : memref<16384x128xf32, #tpu.memory_space<hbm>> -> memref<128x128xf32, #tpu.memory_space<hbm>>
    %dma_wait3A_266 = arith.constant 0 : i32
    %dma_wait3A_267 = tpu.memref_slice %arg4[%add3A_220, %dma_wait3A_266] : memref<16384x128xf32, #tpu.memory_space<hbm>> -> memref<128x128xf32, #tpu.memory_space<hbm>>
    %dma_wait3A_268 = arith.constant 384 : i32
    %dma_wait3A_269 = arith.constant 0 : i32
    %dma_wait3A_270 = tpu.memref_slice %arg6[%dma_wait3A_268, %dma_wait3A_269] : memref<512x128xf32, #tpu.memory_space<vmem>> -> memref<128x128xf32, #tpu.memory_space<vmem>>
    tpu.wait_dma2 semaphore(%arg9 : memref<!tpu.dma_semaphore, #tpu.memory_space<semaphore_mem>>) src(%dma_wait3A_270 : memref<128x128xf32, #tpu.memory_space<vmem>>) dst(%dma_wait3A_267 : memref<128x128xf32, #tpu.memory_space<hbm>>)
    return
  }
}

module attributes {stable_mosaic.version = 14 : i64} {
  func.func @_mlp_body(%arg0: i32, %arg1: memref<4096x128xf32, #tpu.memory_space<vmem>>, %arg2: memref<13x4096xf32, #tpu.memory_space<vmem>>, %arg3: memref<64x141xf32, #tpu.memory_space<vmem>>, %arg4: memref<1x64xf32, #tpu.memory_space<vmem>>, %arg5: memref<64x64xf32, #tpu.memory_space<vmem>>, %arg6: memref<1x64xf32, #tpu.memory_space<vmem>>, %arg7: memref<1x64xf32, #tpu.memory_space<vmem>>, %arg8: memref<1x1xf32, #tpu.memory_space<vmem>>, %arg9: memref<1x4096xf32, #tpu.memory_space<vmem>>) attributes {dimension_semantics = [#tpu.dimension_semantics<arbitrary>], iteration_bounds = array<i64: 4>, scalar_prefetch = 0 : i64, scratch_operands = 0 : i64, tpu.core_type = #tpu.core_type<tc>, window_params = [{transform_indices = @transform_0, window_bounds = array<i64: 4096, 128>}, {transform_indices = @transform_1, window_bounds = array<i64: 13, 4096>}, {pipeline_mode = #tpu.pipeline_mode<synchronous>, transform_indices = @transform_2, window_bounds = array<i64: 64, 141>}, {pipeline_mode = #tpu.pipeline_mode<synchronous>, transform_indices = @transform_3, window_bounds = array<i64: 1, 64>}, {pipeline_mode = #tpu.pipeline_mode<synchronous>, transform_indices = @transform_4, window_bounds = array<i64: 64, 64>}, {pipeline_mode = #tpu.pipeline_mode<synchronous>, transform_indices = @transform_5, window_bounds = array<i64: 1, 64>}, {pipeline_mode = #tpu.pipeline_mode<synchronous>, transform_indices = @transform_6, window_bounds = array<i64: 1, 64>}, {pipeline_mode = #tpu.pipeline_mode<synchronous>, transform_indices = @transform_7, window_bounds = array<i64: 1, 1>}, {transform_indices = @transform_8, window_bounds = array<i64: 1, 4096>}]} {
    %get3A = arith.constant 0 : index
    %get3A_0 = arith.constant 0 : index
    %get3A_1 = vector.load %arg1[%get3A, %get3A_0] : memref<4096x128xf32, #tpu.memory_space<vmem>>, vector<4096x128xf32>
    %convert_element_type3A = arith.truncf %get3A_1 : vector<4096x128xf32> to vector<4096x128xbf16>
    %get3A_2 = arith.constant 0 : index
    %get3A_3 = arith.constant 0 : index
    %get3A_4 = vector.load %arg3[%get3A_2, %get3A_3] : memref<64x141xf32, #tpu.memory_space<vmem>>, vector<64x128xf32>
    %convert_element_type3A_5 = arith.truncf %get3A_4 : vector<64x128xf32> to vector<64x128xbf16>
    %dot_general3A = arith.constant dense<0.000000e+00> : vector<4096x64xf32>
    %dot_general3A_6 = tpu.matmul %convert_element_type3A, %convert_element_type3A_5, %dot_general3A {dimension_numbers = #tpu.dot_dimension_numbers<[1], [1], [0], [0], [0, 0, 1, 0], [], []>, transpose_lhs_hint = false} : vector<4096x128xbf16>, vector<64x128xbf16>, vector<4096x64xf32> -> vector<4096x64xf32>
    %get3A_7 = arith.constant 0 : index
    %get3A_8 = arith.constant 0 : index
    %get3A_9 = vector.load %arg2[%get3A_7, %get3A_8] : memref<13x4096xf32, #tpu.memory_space<vmem>>, vector<13x4096xf32>
    %get3A_10 = arith.constant 0 : index
    %get3A_11 = arith.constant 128 : index
    %get3A_12 = vector.load %arg3[%get3A_10, %get3A_11] : memref<64x141xf32, #tpu.memory_space<vmem>>, vector<64x13xf32>
    %dot_general3A_13 = arith.constant dense<0.000000e+00> : vector<4096x64xf32>
    %dot_general3A_14 = tpu.matmul %get3A_9, %get3A_12, %dot_general3A_13 {dimension_numbers = #tpu.dot_dimension_numbers<[0], [1], [1], [0], [0, 1, 1, 0], [], []>, transpose_lhs_hint = false} : vector<13x4096xf32>, vector<64x13xf32>, vector<4096x64xf32> -> vector<4096x64xf32>
    %add3A = arith.addf %dot_general3A_6, %dot_general3A_14 : vector<4096x64xf32>
    %get3A_15 = arith.constant 0 : index
    %get3A_16 = arith.constant 0 : index
    %get3A_17 = vector.load %arg4[%get3A_15, %get3A_16] : memref<1x64xf32, #tpu.memory_space<vmem>>, vector<1x64xf32>
    %add3A_18 = vector.broadcast %get3A_17 : vector<1x64xf32> to vector<4096x64xf32>
    %add3A_19 = arith.addf %add3A, %add3A_18 : vector<4096x64xf32>
    %max3A = arith.constant 0.000000e+00 : f32
    %max3A_20 = vector.broadcast %max3A : f32 to vector<4096x64xf32>
    %max3A_21 = arith.maximumf %add3A_19, %max3A_20 : vector<4096x64xf32>
    %convert_element_type3A_22 = arith.truncf %max3A_21 : vector<4096x64xf32> to vector<4096x64xbf16>
    %get3A_23 = arith.constant 0 : index
    %get3A_24 = arith.constant 0 : index
    %get3A_25 = vector.load %arg5[%get3A_23, %get3A_24] : memref<64x64xf32, #tpu.memory_space<vmem>>, vector<64x64xf32>
    %convert_element_type3A_26 = arith.truncf %get3A_25 : vector<64x64xf32> to vector<64x64xbf16>
    %dot_general3A_27 = arith.constant dense<0.000000e+00> : vector<4096x64xf32>
    %dot_general3A_28 = tpu.matmul %convert_element_type3A_22, %convert_element_type3A_26, %dot_general3A_27 {dimension_numbers = #tpu.dot_dimension_numbers<[1], [1], [0], [0], [0, 0, 1, 0], [], []>, transpose_lhs_hint = false} : vector<4096x64xbf16>, vector<64x64xbf16>, vector<4096x64xf32> -> vector<4096x64xf32>
    %get3A_29 = arith.constant 0 : index
    %get3A_30 = arith.constant 0 : index
    %get3A_31 = vector.load %arg6[%get3A_29, %get3A_30] : memref<1x64xf32, #tpu.memory_space<vmem>>, vector<1x64xf32>
    %add3A_32 = vector.broadcast %get3A_31 : vector<1x64xf32> to vector<4096x64xf32>
    %add3A_33 = arith.addf %dot_general3A_28, %add3A_32 : vector<4096x64xf32>
    %max3A_34 = arith.constant 0.000000e+00 : f32
    %max3A_35 = vector.broadcast %max3A_34 : f32 to vector<4096x64xf32>
    %max3A_36 = arith.maximumf %add3A_33, %max3A_35 : vector<4096x64xf32>
    %get3A_37 = arith.constant 0 : index
    %get3A_38 = arith.constant 0 : index
    %get3A_39 = vector.load %arg7[%get3A_37, %get3A_38] : memref<1x64xf32, #tpu.memory_space<vmem>>, vector<1x64xf32>
    %dot_general3A_40 = arith.constant dense<0.000000e+00> : vector<1x4096xf32>
    %dot_general3A_41 = tpu.matmul %get3A_39, %max3A_36, %dot_general3A_40 {dimension_numbers = #tpu.dot_dimension_numbers<[1], [1], [0], [0], [0, 0, 1, 0], [], []>, transpose_lhs_hint = false} : vector<1x64xf32>, vector<4096x64xf32>, vector<1x4096xf32> -> vector<1x4096xf32>
    %get3A_42 = arith.constant 0 : index
    %get3A_43 = arith.constant 0 : index
    %get3A_44 = vector.load %arg8[%get3A_42, %get3A_43] : memref<1x1xf32, #tpu.memory_space<vmem>>, vector<1x1xf32>
    %add3A_45 = vector.broadcast %get3A_44 : vector<1x1xf32> to vector<1x4096xf32>
    %add3A_46 = arith.addf %dot_general3A_41, %add3A_45 : vector<1x4096xf32>
    %swap3A = arith.constant 0 : index
    %swap3A_47 = arith.constant 0 : index
    %swap3A_48 = vector.load %arg9[%swap3A, %swap3A_47] : memref<1x4096xf32, #tpu.memory_space<vmem>>, vector<1x4096xf32>
    tpu.vector_store %arg9[%swap3A, %swap3A_47], %add3A_46 {strides = array<i32>} : memref<1x4096xf32, #tpu.memory_space<vmem>>, vector<1x4096xf32>,
    return
  }
  func.func @transform_0(%arg0: i32) -> (i32, i32) {
    %c0_i32 = arith.constant 0 : i32
    %c0_i32_0 = arith.constant 0 : i32
    return %arg0, %c0_i32 : i32, i32
  }
  func.func @transform_1(%arg0: i32) -> (i32, i32) {
    %c0_i32 = arith.constant 0 : i32
    %c0_i32_0 = arith.constant 0 : i32
    return %c0_i32, %arg0 : i32, i32
  }
  func.func @transform_2(%arg0: i32) -> (i32, i32) {
    %c0_i32 = arith.constant 0 : i32
    %c0_i32_0 = arith.constant 0 : i32
    %c0_i32_1 = arith.constant 0 : i32
    return %c0_i32, %c0_i32_0 : i32, i32
  }
  func.func @transform_3(%arg0: i32) -> (i32, i32) {
    %c0_i32 = arith.constant 0 : i32
    %c0_i32_0 = arith.constant 0 : i32
    %c0_i32_1 = arith.constant 0 : i32
    return %c0_i32, %c0_i32_0 : i32, i32
  }
  func.func @transform_4(%arg0: i32) -> (i32, i32) {
    %c0_i32 = arith.constant 0 : i32
    %c0_i32_0 = arith.constant 0 : i32
    %c0_i32_1 = arith.constant 0 : i32
    return %c0_i32, %c0_i32_0 : i32, i32
  }
  func.func @transform_5(%arg0: i32) -> (i32, i32) {
    %c0_i32 = arith.constant 0 : i32
    %c0_i32_0 = arith.constant 0 : i32
    %c0_i32_1 = arith.constant 0 : i32
    return %c0_i32, %c0_i32_0 : i32, i32
  }
  func.func @transform_6(%arg0: i32) -> (i32, i32) {
    %c0_i32 = arith.constant 0 : i32
    %c0_i32_0 = arith.constant 0 : i32
    %c0_i32_1 = arith.constant 0 : i32
    return %c0_i32, %c0_i32_0 : i32, i32
  }
  func.func @transform_7(%arg0: i32) -> (i32, i32) {
    %c0_i32 = arith.constant 0 : i32
    %c0_i32_0 = arith.constant 0 : i32
    %c0_i32_1 = arith.constant 0 : i32
    return %c0_i32, %c0_i32_0 : i32, i32
  }
  func.func @transform_8(%arg0: i32) -> (i32, i32) {
    %c0_i32 = arith.constant 0 : i32
    %c0_i32_0 = arith.constant 0 : i32
    return %c0_i32, %arg0 : i32, i32
  }
}

</mosaic_0001>

<sc_bundles>
// kernel: kernel.4.cloned.1.call-start
scs
__scs_entry_jumppad:
0x0: {  	(pc) =	sbr.rel $0x88, $3  }
0x1: {  	(tag) =	ssettag $0x0;
	lr =	simm.s32 $0x1  }
0x2: {  	[smem:$0x3F98] =	sst lr;
	_ =	strace $0xD0000000  }
0x3: {  	_ = 	snop  }
0x4: {  	_ = 	snop  }
0x5: {  	_ = 	snop  }
0x6: {  	_ = 	snop  }
0x7: {  	_ = 	snop  }
__scs_overlays_trampoline_lowered:
0x8: {  	[smem:$0x3FA7] =	sst s0  }
0x9: {  	[smem:$0x3FA8] =	sst s1  }
0xa: {  	[smem:$0x3FA9] =	sst s2  }
0xb: {  	[smem:$0x3FAA] =	sst s3  }
0xc: {  	[smem:$0x3FAB] =	sst s4  }
0xd: {  	[smem:$0x3FAC] =	sst s5  }
0xe: {  	[smem:$0x3FAD] =	sst s6  }
0xf: {  	[smem:$0x3FAE] =	sst s7  }
0x10: {  	[smem:$0x3FAF] =	sst s8  }
0x11: {  	[smem:$0x3FB0] =	sst s9;
	s0 =	simm.s32 @!p0 $0x0  }
0x12: {  	s1 =	sld [smem:$0x3F96];
	s0 =	simm.s32 @p0 $0x1  }
0x13: {  	[smem:$0x3FB1] =	sst s0;
	s0 =	simm.s32 @!p1 $0x0  }
0x14: {  	s2 =	sld [smem:$0x3F95];
	s0 =	simm.s32 @p1 $0x1  }
0x15: {  	[smem:$0x3FB2] =	sst s0;
	s0 =	simm.s32 @!p2 $0x0  }
0x16: {  	s3 =	sld [smem:$0x3FDB];
	s0 =	simm.s32 @p2 $0x1  }
0x17: {  	s4 =	simm.s32 $0x1BF5;
	[smem:$0x3FB4] =	sst s0  }
0x18: {  	s0 =	sld [smem:$0x3F97];
	_ =	swait.ge [sflag:s4], $0x0  }
0x19: {  	s7 =	sld [smem:$0x3F98]  }
0x1a: {  	s8 =	sadd.s32 $0xFFFFE003, lr  }
0x1b: {  	s9 =	sadd.s32 $0xFFFFFEF7, lr;
	s5 =	simm.s32 $0xFFFFFFFF;
	p2 =	slt.u32 s8, $0xFFFFF086  }
0x1c: {  	p1 =	slt.u32 s9, $0xF7A;
	s5 =	simm.s32 @!p2 $0x0  }
0x1d: {  	s5 =	simm.s32 @p1 $0x1;
	p0 =	seq.s32 s7, s2  }
0x1e: {  	s7 =	smul.u32 @!p0 $0xF7A, s2;
	p2 =	seq.s32 @!p0 s5, $0x0  }
0x1f: {  	s9 =	smul.u32 $0xF7A, s1;
	s8 =	simm.s32 @!p0 $0x1BF5;
	p2 =	por !p2, p0  }
0x20: {  	[sflag:s8] =	ssyncset.s32 @!p0 $0xFFFFF086;
	s6 =	sadd.s32 @!p0 s3, s7;
	s7 =	simm.s32 @!p0 $0x108  }
0x21: {  	s3 =	sadd.s32 s3, s9;
	s6 =	sadd.s32 @!p0 $0x88, s6;
	s7 =	simm.s32 @p2 $0x1082  }
0x22: {  	[simem:s7], [sflag:s8] =	dma.local @!p0 [hbm:s6], $0xF7A  }
0x23: {  	s9 =	sor.u32 $0xD0000000, s2;
	s6 =	simm.s32 $0x108;
	_ =	swait.ge @!p0 [sflag:s8], $0x0  }
0x24: {  	s3 =	sadd.s32 $0x88, s3;
	s6 =	simm.s32 @!p1 $0x1082;
	[sflag:s4] =	ssyncset.s32 $0xFFFFF086  }
0x25: {  	[simem:s6], [sflag:s4] =	dma.local [hbm:s3], $0xF7A  }
0x26: {  	[smem:$0x3F98] =	sst s1;
	(tag) =	ssettag s2;
	_ =	strace s9  }
0x27: {  	s1 =	sld [smem:$0x3FA8]  }
0x28: {  	s2 =	sld [smem:$0x3FA9]  }
0x29: {  	s4 =	sld [smem:$0x3FAB]  }
0x2a: {  	p0 =	seq.s32 s5, $0x0;
	s5 =	sld [smem:$0x3FAC]  }
0x2b: {  	s6 =	sld [smem:$0x3FAD]  }
0x2c: {  	s7 =	sld [smem:$0x3FAE]  }
0x2d: {  	s3 =	simm.s32 $0x108;
	s8 =	sld [smem:$0x3FAF]  }
0x2e: {  	s3 =	simm.s32 @!p0 $0x1082;
	s9 =	sld [smem:$0x3FB0]  }
0x2f: {  	lr =	sadd.s32 s0, s3;
	s0 =	sld [smem:$0x3FA7]  }
0x30: {  	s3 =	sld [smem:$0x3FAA]  }
0x31: {  	[smem:$0x3FB3] =	sst s10  }
0x32: {  	s10 =	sld [smem:$0x3FB1];
	_ =	sdelay $0x3  }
0x33: {  	p0 =	seq.s32 s10, $0x1;
	s10 =	sld [smem:$0x3FB3];
	_ =	sdelay $0x3  }
0x34: {  	[smem:$0x3FB3] =	sst s10  }
0x35: {  	s10 =	sld [smem:$0x3FB2];
	_ =	sdelay $0x3  }
0x36: {  	p1 =	seq.s32 s10, $0x1;
	s10 =	sld [smem:$0x3FB3];
	_ =	sdelay $0x3  }
0x37: {  	[smem:$0x3FB3] =	sst s10  }
0x38: {  	s10 =	sld [smem:$0x3FB4]  }
0x39: {  	_ = 	snop;
	(pc) =	sbr.ind lr, $3  }
0x3a: {  	_ = 	snop  }
0x3b: {  	_ = 	snop  }
0x3c: {  	p2 =	seq.s32 s10, $0x1;
	s10 =	sld [smem:$0x3FB3]  }
0x3d: {  	_ =	shalt  }
0x3e: {  	_ =	shalt  }
0x3f: {  	_ =	shalt  }
0x40: {  	_ =	shalt  }
0x41: {  	_ =	shalt  }
0x42: {  	_ =	shalt  }
0x43: {  	_ =	shalt  }
0x44: {  	_ =	shalt  }
0x45: {  	_ =	shalt  }
0x46: {  	_ =	shalt  }
0x47: {  	_ =	shalt  }
0x48: {  	_ =	shalt  }
0x49: {  	_ =	shalt  }
0x4a: {  	_ =	shalt  }
0x4b: {  	_ =	shalt  }
0x4c: {  	_ =	shalt  }
0x4d: {  	_ =	shalt  }
0x4e: {  	_ =	shalt  }
0x4f: {  	_ =	shalt  }
0x50: {  	_ =	shalt  }
0x51: {  	_ =	shalt  }
0x52: {  	_ =	shalt  }
0x53: {  	_ =	shalt  }
0x54: {  	_ =	shalt  }
0x55: {  	_ =	shalt  }
0x56: {  	_ =	shalt  }
0x57: {  	_ =	shalt  }
0x58: {  	_ =	shalt  }
0x59: {  	_ =	shalt  }
0x5a: {  	_ =	shalt  }
0x5b: {  	_ =	shalt  }
0x5c: {  	_ =	shalt  }
0x5d: {  	_ =	shalt  }
0x5e: {  	_ =	shalt  }
0x5f: {  	_ =	shalt  }
0x60: {  	_ =	shalt  }
0x61: {  	_ =	shalt  }
0x62: {  	_ =	shalt  }
0x63: {  	_ =	shalt  }
0x64: {  	_ =	shalt  }
0x65: {  	_ =	shalt  }
0x66: {  	_ =	shalt  }
0x67: {  	_ =	shalt  }
0x68: {  	_ =	shalt  }
0x69: {  	_ =	shalt  }
0x6a: {  	_ =	shalt  }
0x6b: {  	_ =	shalt  }
0x6c: {  	_ =	shalt  }
0x6d: {  	_ =	shalt  }
0x6e: {  	_ =	shalt  }
0x6f: {  	_ =	shalt  }
0x70: {  	_ =	shalt  }
0x71: {  	_ =	shalt  }
0x72: {  	_ =	shalt  }
0x73: {  	_ =	shalt  }
0x74: {  	_ =	shalt  }
0x75: {  	_ =	shalt  }
0x76: {  	_ =	shalt  }
0x77: {  	_ =	shalt  }
0x78: {  	_ =	shalt  }
0x79: {  	_ =	shalt  }
0x7a: {  	_ =	shalt  }
0x7b: {  	_ =	shalt  }
0x7c: {  	_ =	shalt  }
0x7d: {  	_ =	shalt  }
0x7e: {  	_ =	shalt  }
0x7f: {  	_ =	shalt  }
0x80: {  	_ =	shalt  }
0x81: {  	_ =	shalt  }
0x82: {  	_ =	shalt  }
0x83: {  	_ =	shalt  }
0x84: {  	_ =	shalt  }
0x85: {  	_ =	shalt  }
0x86: {  	_ =	shalt  }
0x87: {  	_ =	shalt  }
.Lfunc_end0:
.L_simem_size_0:
called_computation_lowered:
.L_overlay_start_0:
0x88: {  	s2 =	sld [smem:$0x3FD9]  }
0x89: {  	s3 =	sld [smem:$0x3FFE];
	_ =	sdelay $0x1  }
0x8a: {  	s1 =	srdreg.scid  }
0x8b: {  	s0 =	sand.u32 $0x1, s1  }
0x8c: {  	s17 =	sshll.u32 s0, $0xA;
	s2 =	sadd.s32 s3, s2  }
0x8d: {  	s2 =	sadd.s32 s2, s17  }
0x8e: {  	[smem:$0x3FBF] =	sst s2  }
0x8f: {  	_ = 	snop  }
0x90: {  	s2 =	sld [smem:$0x3FC9]  }
0x91: {  	s18 =	sld [smem:$0x3FC7];
	(tm) =	ssettm $0x1  }
0x92: {  	s4 =	sld [smem:$0x3FFB];
	_ =	sdelay $0x3  }
0x93: {  	_ =	strace s4  }
0x94: {  	s4 =	sld [smem:$0x3FFC];
	_ =	sdelay $0x3  }
0x95: {  	_ =	strace s4  }
0x96: {  	s4 =	sld [smem:$0x3FFD];
	_ =	sdelay $0x3  }
0x97: {  	_ =	strace s4  }
0x98: {  	_ =	strace $0x8FFFFFFF  }
0x99: {  	s19 =	sld [smem:$0x3FDB];
	_ =	sdelay $0x1  }
0x9a: {  	s5 =	simm.s32 $_scs_section_size  }
0x9b: {  	s6 =	simm.s32 $_size__tile_overlayer_lowered;
	s7 =	simm.s32 $_tile_overlayer_lowered  }
0x9c: {  	s22 =	simm.s32 $0x1BFF;
	s21 =	sshll.u32 s7, $0x1;
	s4 =	sadd.s32 s5, s19  }
0x9d: {  	s8 =	simm.s32 $0x0;
	s20 =	sshll.u32 s6, $0x1;
	s6 =	sadd.s32 s21, s4  }
0x9e: {  	[timem:s8], [sflag:s22] =	dma.local [hbm:s6], s20  }
0x9f: {  	_ =	swait.ge [sflag:s22], s20  }
0xa0: {  	s5 =	ssub.s32 $0x0, s20;
	[sflag:s22] =	ssyncset.done $0x0  }
0xa1: {  	[sflag:s22] =	ssyncadd.s32 s5;
	_ =	sdelay $0x1  }
0xa2: {  	s23 =	simm.s32 $0x1B8B  }
0xa3: {  	_ =	swait.ge [sflag:s23], $0x1  }
0xa4: {  	[sflag:s23] =	ssyncset.done $0x0  }
0xa5: {  	s25 =	simm.s32 $0x1B8E;
	s24 =	sld [smem:$0x3FFE];
	[sflag:s23] =	ssyncadd.s32 $0xFFFFFFFF  }
0xa6: {  	s26 =	simm.s32 $execute0_lowered;
	[smem:$0x3FD2] =	sst s25  }
0xa7: {  	s6 =	sshll.u32 s26, $0x1;
	_ =	strace $0x80000046;
	[dreg:$0x1] =	wrdreg $0xFFFFFFFF  }
0xa8: {  	s28 =	simm.s32 $_size_execute0_lowered;
	s4 =	sadd.s32 s4, s6;
	[dreg:$0x0] =	wrdreg $0x0  }
0xa9: {  	s6 =	sshll.u32 s28, $0x1;
	[dreg:$0x2] =	wrdreg s4  }
0xaa: {  	[dreg:$0x3] =	wrdreg s6  }
0xab: {  	[dreg:$0x4] =	wrdreg $0xC0  }
0xac: {  	_ =	task [dreg:s8], $0x5FFFF  }
0xad: {  	[dreg:$0x1] =	wrdreg $0xFFFFFFFF  }
0xae: {  	[dreg:$0x0] =	wrdreg $0x60  }
0xaf: {  	[dreg:$0x2] =	wrdreg s18  }
0xb0: {  	[dreg:$0x3] =	wrdreg s2  }
0xb1: {  	[dreg:$0x4] =	wrdreg s24  }
0xb2: {  	[dreg:$0x5] =	wrdreg $0x9  }
0xb3: {  	_ =	task.clear_ibuf [dreg:s8], $0x6FFFF;
	_ =	strace $0x90000046  }
0xb4: {  	s29 =	simm.s32 $0x9;
	_ =	strace $0x80000048  }
0xb5: {  	_ =	swait.ge [sflag:s29], $0x1  }
0xb6: {  	[sflag:s29] =	ssyncadd.s32 $0xFFFFFFFF  }
0xb7: {  	_ =	strace $0x90000048  }
0xb8: {  	_ =	sfence  }
0xb9: {  	s30 =	sld [smem:$0x0];
	_ =	sdelay $0x2  }
0xba: {  	s31 =	sshll.u32 s1, $0xD;
	s1 =	sshrl.u32 s1, $0x2  }
0xbb: {  	s3 =	sand.u32 $0x4000, s31;
	s1 =	sadd.s32 s1, s30  }
0xbc: {  	s0 =	sor.u32 s3, s0;
	s1 =	sshll.u32 s1, $0x11  }
0xbd: {  	s0 =	sor.u32 s1, s0  }
0xbe: {  	s0 =	sadd.s32 $0x8F2B, s0  }
0xbf: {  	[sflag:s0] =	ssyncadd.remote.s32 $0x1  }
0xc0: {  	_ =	sfence.sel $0xFFFF  }
0xc1: {  	[dreg:$0x0] =	wrdreg $0xFFFFFFFF;
	(pc) =	sbr.abs _section_cstart, $3  }
0xc2: {  	[dreg:$0x1] =	wrdreg $0xFFFFFFFF  }
0xc3: {  	_ =	task.clear_ibuf [dreg:s8], $0x2FFFF;
	_ =	strace $0x9FFFFFFF  }
0xc4: {  	(tm) =	ssettm $0x7FFFFFFF  }
0xc5: {  	_ =	shalt  }
tec
execute0_lowered:
.L_overlay_start_1:
0x0: {  	(tag) =	ssettag $0x1  }
0x1: {  	s2 =	rddreg [dreg:$0x0]  }
0x2: {  	s4 =	rddreg [dreg:$0x1];
	s3 =	srdreg.scid  }
0x3: {  	s17 =	rddreg [dreg:$0x2];
	s1 =	stileid.u32;
	s22 =	sand.u32 $0x1, s3  }
0x4: {  	s3 =	simm.s32 $0x0;
	s6 =	sshll.u32 s1, $0x7;
	s5 =	sshll.u32 s22, $0x6  }
0x5: {  	[smem:$0x7FF] =	sst s3;
	s5 =	sor.u32 s5, s6  }
0x6: {  	s0 =	rddreg [dreg:$0x3];
	_ =	strace $0x80000047;
	s4 =	sadd.s32 s4, s5  }
0x7: {  	[tilespmem:s3], [sflag:$0x1] =	stream.linear.gather [hbm4b:s4+s3], $0x80, $0x38;
	[tilespmem:$0x10200] =	vst v63  }
0x8: {  	s6 =	simm.s32 $0x80;
	s5 =	sadd.s32 $0x10, s4  }
0x9: {  	[tilespmem:s6], [sflag:$0x1] =	stream.linear.gather [hbm4b:s5+s3], $0x80, $0x38;
	[tilespmem:$0x10200] =	vst v63  }
0xa: {  	s8 =	simm.s32 $0x100;
	s7 =	sadd.s32 $0x20, s4  }
0xb: {  	[tilespmem:s8], [sflag:$0x1] =	stream.linear.gather [hbm4b:s7+s3], $0x80, $0x38;
	[tilespmem:$0x10200] =	vst v63  }
0xc: {  	s10 =	simm.s32 $0x180;
	s11 =	simm.s32 $0x1;
	s9 =	sadd.s32 $0x30, s4  }
0xd: {  	[tilespmem:s10], [sflag:$0x1] =	stream.linear.gather [hbm4b:s9+s3], $0x80, $0x38;
	[tilespmem:$0x10200] =	vst v63  }
0xe: {  	_ =	swait.ge [sflag:s11], $0x80  }
0xf: {  	[sflag:s11] =	ssyncset.done $0x0  }
0x10: {  	s12 =	simm.s32 $0x200;
	[sflag:s11] =	ssyncadd.s32 $0xFFFFFF80  }
0x11: {  	[tilespmem:s12], [sflag:$0x2] =	stream.indirect.gather [hbm4b:s2+s6], $0x80, s3, s6, $0xb8;
	[tilespmem:$0x10200] =	vst v63  }
0x12: {  	_ =	swait.ge [sflag:s11], $0x80  }
0x13: {  	[sflag:s11] =	ssyncset.done $0x0  }
0x14: {  	s13 =	simm.s32 $0x4200;
	[sflag:s11] =	ssyncadd.s32 $0xFFFFFF80  }
0x15: {  	[tilespmem:s13], [sflag:$0x2] =	stream.indirect.gather [hbm4b:s2+s6], $0x80, s6, s6, $0xb8;
	[tilespmem:$0x10200] =	vst v63  }
0x16: {  	_ =	swait.ge [sflag:s11], $0x80  }
0x17: {  	[sflag:s11] =	ssyncset.done $0x0  }
0x18: {  	s14 =	simm.s32 $0x8200;
	[sflag:s11] =	ssyncadd.s32 $0xFFFFFF80  }
0x19: {  	[tilespmem:s14], [sflag:$0x2] =	stream.indirect.gather [hbm4b:s2+s6], $0x80, s8, s6, $0xb8;
	[tilespmem:$0x10200] =	vst v63  }
0x1a: {  	_ =	swait.ge [sflag:s11], $0x80  }
0x1b: {  	s15 =	simm.s32 $0xC200;
	s16 =	simm.s32 $0x2;
	[sflag:s11] =	ssyncset.done $0x0  }
0x1c: {  	s18 =	sshll.u32 s1, $0xE;
	s19 =	sshll.u32 s22, $0xD;
	[sflag:s11] =	ssyncadd.s32 $0xFFFFFF80  }
0x1d: {  	[tilespmem:s15], [sflag:$0x2] =	stream.indirect.gather [hbm4b:s2+s6], $0x80, s10, s6, $0xb8;
	[tilespmem:$0x10200] =	vst v63  }
0x1e: {  	s18 =	sor.u32 s19, s18;
	_ =	swait.ge [sflag:s16], $0x4000  }
0x1f: {  	s20 =	sadd.s32 s18, s17;
	[sflag:s16] =	ssyncset.done $0x0  }
0x20: {  	s17 =	sadd.s32 $0x1200, s20;
	[sflag:s16] =	ssyncadd.s32 $0xFFFFC000  }
0x21: {  	[hbm4b:s17+s3] =	stream.linear.scatter [tilespmem:s12], [sflag:$0x3], $0x4000, $0x38;
	[tilespmem:$0x10200] =	vst v63  }
0x22: {  	_ =	swait.ge [sflag:s16], $0x4000  }
0x23: {  	[sflag:s16] =	ssyncset.done $0x0  }
0x24: {  	s18 =	sadd.s32 $0x1A00, s20;
	[sflag:s16] =	ssyncadd.s32 $0xFFFFC000  }
0x25: {  	[hbm4b:s18+s3] =	stream.linear.scatter [tilespmem:s13], [sflag:$0x3], $0x4000, $0x38;
	[tilespmem:$0x10200] =	vst v63  }
0x26: {  	_ =	swait.ge [sflag:s16], $0x4000  }
0x27: {  	[sflag:s16] =	ssyncset.done $0x0  }
0x28: {  	s19 =	sadd.s32 $0x2200, s20;
	[sflag:s16] =	ssyncadd.s32 $0xFFFFC000  }
0x29: {  	[hbm4b:s19+s3] =	stream.linear.scatter [tilespmem:s14], [sflag:$0x3], $0x4000, $0x38;
	[tilespmem:$0x10200] =	vst v63  }
0x2a: {  	_ =	swait.ge [sflag:s16], $0x4000  }
0x2b: {  	[sflag:s16] =	ssyncset.done $0x0  }
0x2c: {  	s21 =	sadd.s32 $0x2A00, s20;
	s20 =	simm.s32 $0x3;
	[sflag:s16] =	ssyncadd.s32 $0xFFFFC000  }
0x2d: {  	[hbm4b:s21+s3] =	stream.linear.scatter [tilespmem:s15], [sflag:$0x3], $0x4000, $0x38;
	[tilespmem:$0x10200] =	vst v63  }
0x2e: {  	_ =	swait.ge [sflag:s20], $0x4000  }
0x2f: {  	s22 =	ssub.s32 $0x2, s22;
	[sflag:s20] =	ssyncset.done $0x0  }
0x30: {  	s23 =	sshrl.u32 s22, $0x1;
	[sflag:s20] =	ssyncadd.s32 $0xFFFFC000  }
0x31: {  	s22 =	ssub.s32 s22, s23;
	_ =	swait.ge [sflag:s20], $0x4000  }
0x32: {  	s22 =	smax.u32 s22, $0x1;
	[sflag:s20] =	ssyncset.done $0x0  }
0x33: {  	p0 =	sne.s32 s22, $0x1;
	[sflag:s20] =	ssyncadd.s32 $0xFFFFC000  }
.Ltmp0:
0x34: {  	_ =	swait.ge [sflag:s20], $0x4000;
	(pc) =	sbr.rel @!p0 .LBB2_2-.Ltmp0, $4  }
0x35: {  	[sflag:s20] =	ssyncset.done $0x0  }
0x36: {  	[sflag:s20] =	ssyncadd.s32 $0xFFFFC000  }
0x37: {  	_ =	swait.ge [sflag:s20], $0x4000  }
0x38: {  	s22 =	sadd.s32 $0xFFFFFFFF, s22;
	[sflag:s20] =	ssyncset.done $0x0  }
.LBB2_1:
0x39: {  	p0 =	sne.s32 s22, $0x1;
	s22 =	sadd.s32 $0xFFFFFFFF, s22;
	[sflag:s20] =	ssyncadd.s32 $0xFFFFC000  }
0x3a: {  	[tilespmem:s3], [sflag:$0x1] =	stream.linear.gather [hbm4b:s4+s3], $0x80, $0x38;
	[tilespmem:$0x10200] =	vst v63  }
0x3b: {  	_ = 	snop  }
0x3c: {  	[tilespmem:s6], [sflag:$0x1] =	stream.linear.gather [hbm4b:s5+s3], $0x80, $0x38;
	[tilespmem:$0x10200] =	vst v63  }
0x3d: {  	_ = 	snop  }
0x3e: {  	[tilespmem:s8], [sflag:$0x1] =	stream.linear.gather [hbm4b:s7+s3], $0x80, $0x38;
	[tilespmem:$0x10200] =	vst v63  }
0x3f: {  	_ = 	snop  }
0x40: {  	[tilespmem:s10], [sflag:$0x1] =	stream.linear.gather [hbm4b:s9+s3], $0x80, $0x38;
	[tilespmem:$0x10200] =	vst v63  }
0x41: {  	_ =	swait.ge [sflag:s11], $0x80  }
0x42: {  	[sflag:s11] =	ssyncset.done $0x0  }
0x43: {  	[sflag:s11] =	ssyncadd.s32 $0xFFFFFF80  }
0x44: {  	[tilespmem:s12], [sflag:$0x2] =	stream.indirect.gather [hbm4b:s2+s6], $0x80, s3, s6, $0xb8;
	[tilespmem:$0x10200] =	vst v63  }
0x45: {  	_ =	swait.ge [sflag:s11], $0x80  }
0x46: {  	[sflag:s11] =	ssyncset.done $0x0  }
0x47: {  	[sflag:s11] =	ssyncadd.s32 $0xFFFFFF80  }
0x48: {  	[tilespmem:s13], [sflag:$0x2] =	stream.indirect.gather [hbm4b:s2+s6], $0x80, s6, s6, $0xb8;
	[tilespmem:$0x10200] =	vst v63  }
0x49: {  	_ =	swait.ge [sflag:s11], $0x80  }
0x4a: {  	[sflag:s11] =	ssyncset.done $0x0  }
0x4b: {  	[sflag:s11] =	ssyncadd.s32 $0xFFFFFF80  }
0x4c: {  	[tilespmem:s14], [sflag:$0x2] =	stream.indirect.gather [hbm4b:s2+s6], $0x80, s8, s6, $0xb8;
	[tilespmem:$0x10200] =	vst v63  }
0x4d: {  	_ =	swait.ge [sflag:s11], $0x80  }
0x4e: {  	[sflag:s11] =	ssyncset.done $0x0  }
0x4f: {  	[sflag:s11] =	ssyncadd.s32 $0xFFFFFF80  }
0x50: {  	[tilespmem:s15], [sflag:$0x2] =	stream.indirect.gather [hbm4b:s2+s6], $0x80, s10, s6, $0xb8;
	[tilespmem:$0x10200] =	vst v63  }
0x51: {  	_ =	swait.ge [sflag:s16], $0x4000  }
0x52: {  	[sflag:s16] =	ssyncset.done $0x0  }
0x53: {  	[sflag:s16] =	ssyncadd.s32 $0xFFFFC000  }
0x54: {  	[hbm4b:s17+s3] =	stream.linear.scatter [tilespmem:s12], [sflag:$0x3], $0x4000, $0x38;
	[tilespmem:$0x10200] =	vst v63  }
0x55: {  	_ =	swait.ge [sflag:s16], $0x4000  }
0x56: {  	[sflag:s16] =	ssyncset.done $0x0  }
0x57: {  	[sflag:s16] =	ssyncadd.s32 $0xFFFFC000  }
0x58: {  	[hbm4b:s18+s3] =	stream.linear.scatter [tilespmem:s13], [sflag:$0x3], $0x4000, $0x38;
	[tilespmem:$0x10200] =	vst v63  }
0x59: {  	_ =	swait.ge [sflag:s16], $0x4000  }
0x5a: {  	[sflag:s16] =	ssyncset.done $0x0  }
0x5b: {  	[sflag:s16] =	ssyncadd.s32 $0xFFFFC000  }
0x5c: {  	[hbm4b:s19+s3] =	stream.linear.scatter [tilespmem:s14], [sflag:$0x3], $0x4000, $0x38;
	[tilespmem:$0x10200] =	vst v63  }
0x5d: {  	_ =	swait.ge [sflag:s16], $0x4000  }
0x5e: {  	[sflag:s16] =	ssyncset.done $0x0  }
0x5f: {  	[sflag:s16] =	ssyncadd.s32 $0xFFFFC000  }
0x60: {  	[hbm4b:s21+s3] =	stream.linear.scatter [tilespmem:s15], [sflag:$0x3], $0x4000, $0x38;
	[tilespmem:$0x10200] =	vst v63  }
0x61: {  	_ =	swait.ge [sflag:s20], $0x4000  }
0x62: {  	[sflag:s20] =	ssyncset.done $0x0  }
0x63: {  	[sflag:s20] =	ssyncadd.s32 $0xFFFFC000  }
0x64: {  	_ =	swait.ge [sflag:s20], $0x4000  }
0x65: {  	[sflag:s20] =	ssyncset.done $0x0  }
0x66: {  	[sflag:s20] =	ssyncadd.s32 $0xFFFFC000  }
.Ltmp1:
0x67: {  	_ =	swait.ge [sflag:s20], $0x4000;
	(pc) =	sbr.rel @p0 .LBB2_1-.Ltmp1, $4  }
0x68: {  	[sflag:s20] =	ssyncset.done $0x0  }
0x69: {  	[sflag:s20] =	ssyncadd.s32 $0xFFFFC000  }
0x6a: {  	_ =	swait.ge [sflag:s20], $0x4000  }
0x6b: {  	[sflag:s20] =	ssyncset.done $0x0  }
.LBB2_2:
0x6c: {  	[sflag:s20] =	ssyncadd.s32 $0xFFFFC000  }
0x6d: {  	_ =	sfence.sel $0x180000  }
0x6e: {  	[bflag:$0x0] =	sbarrier.arrive $0xFFFF  }
0x6f: {  	p0 =	sne.s32 s1, $0x0;
	_ =	strace $0x90000047  }
0x70: {  	s0 =	sadd.s32 @!p0 $0x100000, s0;
	[bflag:$0x2] =	sbarrier.arrive $0xFFFF  }
0x71: {  	[sflag:s0] =	ssyncadd.tile.s32 @!p0 $0x1;
	_ =	shalt  }
.Lfunc_end2:
_tile_overlayer_lowered:
.L_overlay_start_2:
0x72: {  	(tag) =	ssettag $0x2  }
0x73: {  	s0 =	rddreg [dreg:$0x0];
	s2 =	stileid.u32  }
0x74: {  	s1 =	rddreg [dreg:$0x1];
	p0 =	sne.s32 s2, $0x0  }
0x75: {  	s3 =	rddreg [dreg:$0x2];
	[bflag:$0x3] =	sbarrier.arrive $0xFFFF;
	s2 =	simm.s32 @!p0 $0x1C04  }
0x76: {  	[timem:s3], [sflag:s2] =	dma.local @!p0 [hbm:s0], s1  }
0x77: {  	s0 =	simm.s32 @!p0 $0x4  }
0x78: {  	_ =	swait.ge @!p0 [sflag:s0], s1  }
0x79: {  	s1 =	ssub.s32 @!p0 $0x0, s1;
	[sflag:s0] =	ssyncset.done @!p0 $0x0  }
0x7a: {  	[sflag:s0] =	ssyncadd.s32 @!p0 s1  }
0x7b: {  	[bflag:$0x3] =	sbarrier.arrive $0xFFFF  }
0x7c: {  	_ =	shalt  }

</sc_bundles>
